<compile_context>
chip_gen: v7x
topology: tpu7x:2x2x1
jax: 0.10.2.dev20260603
libtpu: 0.0.44.dev20260713+nightly
codegen_flags: <defaults>
</compile_context>

<pallas_src>
import functools

import jax
import jax.numpy as jnp
from jax import lax
from jax.experimental import pallas as pl
from jax.experimental.pallas import tpu as pltpu
from jax.experimental.pallas import tpu_sc as plsc

_ROWS = 256
_COLS = 2048

_SC_CORES = 2
_SC_SUBCORES = 16
_SC_WORKERS = _SC_CORES * _SC_SUBCORES


def _argmax_dist_body(rows_ref, all_ref, idx_ref):
    a = rows_ref[:]
    a2 = jnp.sum(a * a, axis=1, keepdims=True)
    row_ids = (pl.program_id(0) * _ROWS
               + lax.broadcasted_iota(jnp.int32, (_ROWS, _COLS), 0))
    best_val = jnp.full((_ROWS, 1), -jnp.inf, jnp.float32)
    best_idx = jnp.zeros((_ROWS, 1), jnp.int32)
    n = all_ref.shape[0]
    for c in range(n // _COLS):
        blk = all_ref[pl.ds(c * _COLS, _COLS), :]
        b2 = jnp.sum(blk * blk, axis=1)[None, :]
        dots = lax.dot_general(a, blk, (((1,), (1,)), ((), ())),
                               preferred_element_type=jnp.float32)
        d2 = a2 + b2 - 2.0 * dots
        col_ids = c * _COLS + lax.broadcasted_iota(jnp.int32, (_ROWS, _COLS), 1)
        d2 = jnp.where(col_ids == row_ids, jnp.inf, d2)
        lmax = jnp.max(d2, axis=1, keepdims=True)
        lidx = jnp.min(jnp.where(d2 == lmax, col_ids, jnp.iinfo(jnp.int32).max),
                       axis=1, keepdims=True)
        take = lmax > best_val
        best_val = jnp.where(take, lmax, best_val)
        best_idx = jnp.where(take, lidx, best_idx)
    idx_ref[:] = best_idx


def _neighbor_indices(data):
    B, D = data.shape
    return pl.pallas_call(
        _argmax_dist_body,
        grid=(B // _ROWS,),
        in_specs=[
            pl.BlockSpec((_ROWS, D), lambda i: (i, 0)),
            pl.BlockSpec((B, D), lambda i: (0, 0)),
        ],
        out_specs=pl.BlockSpec((_ROWS, 1), lambda i: (i, 0)),
        out_shape=jax.ShapeDtypeStruct((B, 1), jnp.int32),
    )(data, data)


def _gather_rows(table, idx):
    B, D = table.shape
    b_per_w = B // _SC_WORKERS
    mesh = plsc.VectorSubcoreMesh(core_axis_name="c", subcore_axis_name="s")

    @functools.partial(
        pl.kernel, mesh=mesh,
        compiler_params=pltpu.CompilerParams(use_tc_tiling_on_sc=False),
        out_type=jax.ShapeDtypeStruct((B, D), jnp.float32),
        scratch_types=[
            pltpu.VMEM((b_per_w,), jnp.int32),
            pltpu.VMEM((b_per_w, D), jnp.float32),
            pltpu.SemaphoreType.DMA,
        ],
    )
    def _k(table_hbm, idx_hbm, out_hbm, idx_v, rows_v, sem):
        wid = lax.axis_index("s") * _SC_CORES + lax.axis_index("c")
        base = wid * b_per_w
        pltpu.sync_copy(idx_hbm.at[pl.ds(base, b_per_w)], idx_v)
        pltpu.async_copy(table_hbm.at[idx_v], rows_v, sem).wait()
        pltpu.sync_copy(rows_v, out_hbm.at[pl.ds(base, b_per_w)])

    return _k(table, idx)


def kernel(batch, queue):
    del queue
    idx = _neighbor_indices(batch)[:, 0]
    return _gather_rows(batch, idx)

# --- scband reference (transcript-rebuilt; emitter-appended) ---
"""Pipeline reference for scband-nearest-neighbor-sampler-12017318494554 (READ-ONLY COPY).

The authoritative reference and input builder live on the scoring server;
editing this copy changes nothing except your own understanding.
"""

import jax, jax.numpy as jnp
import numpy as np

MAX_SIZE = 32768
NUM_NEIGHBORS = 1


def pairwise_euclidean(a, b):
    a2 = jnp.sum(a * a, axis=1, keepdims=True)
    b2 = jnp.sum(b * b, axis=1)[None, :]
    d2 = a2 + b2 - 2.0 * (a @ b.T)
    return jnp.sqrt(jnp.maximum(d2, 0.0))


def setup_inputs(seed: int = 0) -> dict:
    key = jax.random.key(seed)
    batch = jax.random.normal(key, (16384, 16), dtype=jnp.float32)
    # fresh module buffer: zeros, logical queue_size = 0 before first forward
    queue = jnp.zeros((MAX_SIZE, 16), dtype=jnp.float32)
    return {"batch": batch, "queue": queue}


def reference(batch, queue):
    B = batch.shape[0]
    # Queue.forward: enqueue batch (FIFO), then return the valid slice.
    new_queue = jnp.concatenate([batch, queue], axis=0)[:MAX_SIZE]
    queue_size = min(0 + B, MAX_SIZE)  # queue_size was 0 on a fresh module
    data_queue = new_queue[:queue_size]
    # pairwise euclidean distances between batch and queue contents
    distances = pairwise_euclidean(batch, data_queue)
    # queue not frozen -> mask the self-match diagonal with +inf
    n = int(np.min(np.array(distances.shape)))
    diag = jnp.arange(n)
    distances = distances.at[diag, diag].set(jnp.inf)
    k = min(NUM_NEIGHBORS, data_queue.shape[0])
    # torch.topk default largest=True -- translated faithfully
    _, knn_index = jax.lax.top_k(distances, k)
    neighbor_index = knn_index[:, 0]  # num_neighbors == 1 branch
    return jnp.take(data_queue, neighbor_index, axis=0)

if __name__ == "__main__":
    import jax
    _d = setup_inputs()
    print(jax.jit(kernel)(*tuple(_d.values())))

</pallas_src>

<mosaic_0001>
#map = affine_map<(d0, d1) -> (0, 0)>
#map1 = affine_map<(d0, d1) -> (0)>
module attributes {stable_mosaic.version = 14 : i64} {
  func.func @_k(%arg0: i32, %arg1: i32, %arg2: memref<16384x16xf32, #tpu.memory_space<hbm>>, %arg3: memref<16384xi32, #tpu.memory_space<hbm>>, %arg4: memref<16384x16xf32, #tpu.memory_space<hbm>>, %arg5: memref<512xi32, #tpu.memory_space<vmem>>, %arg6: memref<512x16xf32, #tpu.memory_space<vmem>>, %arg7: memref<!tpu.dma_semaphore, #tpu.memory_space<semaphore_mem>>) attributes {dimension_semantics = [#tpu.dimension_semantics<core_parallel>, #tpu.dimension_semantics<subcore_parallel>], iteration_bounds = array<i64: 2, 16>, scalar_prefetch = 0 : i64, scratch_operands = 3 : i64, tpu.core_type = #tpu.core_type<sc_vector_subcore>, window_params = [{transform_indices = #map}, {transform_indices = #map1}, {transform_indices = #map}]} {
    %mul3A = arith.constant 2 : i32
    %mul3A_0 = arith.muli %arg1, %mul3A : i32
    %add3A = arith.addi %mul3A_0, %arg0 : i32
    %mul3A_1 = arith.constant 512 : i32
    %mul3A_2 = arith.muli %add3A, %mul3A_1 : i32
    "tpu.region"() ({
      %run_scoped3A = tpu.sem_alloc : memref<!tpu.dma_semaphore, #tpu.memory_space<semaphore_mem>>
      %dma_start3A_7 = tpu.memref_slice %arg3[%mul3A_2] : memref<16384xi32, #tpu.memory_space<hbm>> -> memref<512xi32, #tpu.memory_space<hbm>>
      %dma_start3A_8 = tpu.memref_slice %arg3[%mul3A_2] : memref<16384xi32, #tpu.memory_space<hbm>> -> memref<512xi32, #tpu.memory_space<hbm>>
      tpu.enqueue_dma source(%dma_start3A_8 : memref<512xi32, #tpu.memory_space<hbm>>) target(%arg5 : memref<512xi32, #tpu.memory_space<vmem>>) target_semaphore(%run_scoped3A : memref<!tpu.dma_semaphore, #tpu.memory_space<semaphore_mem>>)
      %dma_wait3A_9 = tpu.memref_slice %arg3[%mul3A_2] : memref<16384xi32, #tpu.memory_space<hbm>> -> memref<512xi32, #tpu.memory_space<hbm>>
      %dma_wait3A_10 = tpu.memref_slice %arg3[%mul3A_2] : memref<16384xi32, #tpu.memory_space<hbm>> -> memref<512xi32, #tpu.memory_space<hbm>>
      tpu.wait_dma2 semaphore(%run_scoped3A : memref<!tpu.dma_semaphore, #tpu.memory_space<semaphore_mem>>) src(%dma_wait3A_10 : memref<512xi32, #tpu.memory_space<hbm>>) dst(%arg5 : memref<512xi32, #tpu.memory_space<vmem>>)
      tpu.yield
    }) : () -> ()
    %dma_start3A = arith.constant 0 : i32
    %dma_start3A_3 = arith.constant 0 : i32
    %dma_start3A_4 = tpu.memref_slice %arg2[%dma_start3A, %dma_start3A_3] : memref<16384x16xf32, #tpu.memory_space<hbm>> -> memref<16384x16xf32, #tpu.memory_space<hbm>>
    tpu.enqueue_indirect_dma source(%dma_start3A_4 : memref<16384x16xf32, #tpu.memory_space<hbm>>) target(%arg6 : memref<512x16xf32, #tpu.memory_space<vmem>>) offsets(%arg5 : memref<512xi32, #tpu.memory_space<vmem>>) semaphore(%arg7 : memref<!tpu.dma_semaphore, #tpu.memory_space<semaphore_mem>>)
    %dma_wait3A = arith.constant 0 : i32
    %dma_wait3A_5 = arith.constant 0 : i32
    %dma_wait3A_6 = tpu.memref_slice %arg2[%dma_wait3A, %dma_wait3A_5] : memref<16384x16xf32, #tpu.memory_space<hbm>> -> memref<16384x16xf32, #tpu.memory_space<hbm>>
    tpu.wait_indirect_dma semaphore(%arg7 : memref<!tpu.dma_semaphore, #tpu.memory_space<semaphore_mem>>) src(%dma_wait3A_6 : memref<16384x16xf32, #tpu.memory_space<hbm>>) dst(%arg6 : memref<512x16xf32, #tpu.memory_space<vmem>>)
    "tpu.region"() ({
      %run_scoped3A = tpu.sem_alloc : memref<!tpu.dma_semaphore, #tpu.memory_space<semaphore_mem>>
      %dma_start3A_7 = arith.constant 0 : i32
      %dma_start3A_8 = tpu.memref_slice %arg4[%mul3A_2, %dma_start3A_7] : memref<16384x16xf32, #tpu.memory_space<hbm>> -> memref<512x16xf32, #tpu.memory_space<hbm>>
      %dma_start3A_9 = arith.constant 0 : i32
      %dma_start3A_10 = tpu.memref_slice %arg4[%mul3A_2, %dma_start3A_9] : memref<16384x16xf32, #tpu.memory_space<hbm>> -> memref<512x16xf32, #tpu.memory_space<hbm>>
      tpu.enqueue_dma source(%arg6 : memref<512x16xf32, #tpu.memory_space<vmem>>) target(%dma_start3A_10 : memref<512x16xf32, #tpu.memory_space<hbm>>) target_semaphore(%run_scoped3A : memref<!tpu.dma_semaphore, #tpu.memory_space<semaphore_mem>>)
      %dma_wait3A_11 = arith.constant 0 : i32
      %dma_wait3A_12 = tpu.memref_slice %arg4[%mul3A_2, %dma_wait3A_11] : memref<16384x16xf32, #tpu.memory_space<hbm>> -> memref<512x16xf32, #tpu.memory_space<hbm>>
      %dma_wait3A_13 = arith.constant 0 : i32
      %dma_wait3A_14 = tpu.memref_slice %arg4[%mul3A_2, %dma_wait3A_13] : memref<16384x16xf32, #tpu.memory_space<hbm>> -> memref<512x16xf32, #tpu.memory_space<hbm>>
      tpu.wait_dma2 semaphore(%run_scoped3A : memref<!tpu.dma_semaphore, #tpu.memory_space<semaphore_mem>>) src(%arg6 : memref<512x16xf32, #tpu.memory_space<vmem>>) dst(%dma_wait3A_14 : memref<512x16xf32, #tpu.memory_space<hbm>>)
      tpu.yield
    }) : () -> ()
    return
  }
}

module attributes {stable_mosaic.version = 14 : i64} {
  func.func @_argmax_dist_body(%arg0: i32, %arg1: memref<256x16xf32, #tpu.memory_space<vmem>>, %arg2: memref<16384x16xf32, #tpu.memory_space<vmem>>, %arg3: memref<256x1xi32, #tpu.memory_space<vmem>>) attributes {dimension_semantics = [#tpu.dimension_semantics<arbitrary>], iteration_bounds = array<i64: 64>, scalar_prefetch = 0 : i64, scratch_operands = 0 : i64, tpu.core_type = #tpu.core_type<tc>, window_params = [{transform_indices = @transform_0, window_bounds = array<i64: 256, 16>}, {pipeline_mode = #tpu.pipeline_mode<synchronous>, transform_indices = @transform_1, window_bounds = array<i64: 16384, 16>}, {transform_indices = @transform_2, window_bounds = array<i64: 256, 1>}]} {
    %get3A = arith.constant 0 : index
    %get3A_0 = arith.constant 0 : index
    %get3A_1 = vector.load %arg1[%get3A, %get3A_0] : memref<256x16xf32, #tpu.memory_space<vmem>>, vector<256x16xf32>
    %mul3A = arith.mulf %get3A_1, %get3A_1 : vector<256x16xf32>
    %reduce_sum3A = arith.constant dense<0.000000e+00> : vector<256xf32>
    %reduce_sum3A_2 = vector.multi_reduction <add>, %mul3A, %reduce_sum3A [1] : vector<256x16xf32> to vector<256xf32>
    %broadcast_in_dim3A = vector.shape_cast %reduce_sum3A_2 : vector<256xf32> to vector<256x1xf32>
    %mul3A_3 = arith.constant 256 : i32
    %mul3A_4 = arith.muli %arg0, %mul3A_3 : i32
    %iota3A = tpu.iota {dimensions = array<i32: 0>} : vector<256x2048xi32>
    %add3A = vector.broadcast %mul3A_4 : i32 to vector<256x2048xi32>
    %add3A_5 = arith.addi %add3A, %iota3A : vector<256x2048xi32>
    %broadcast_in_dim3A_6 = arith.constant 0xFF800000 : f32
    %broadcast_in_dim3A_7 = vector.broadcast %broadcast_in_dim3A_6 : f32 to vector<256x1xf32>
    %broadcast_in_dim3A_8 = arith.constant 0 : i32
    %broadcast_in_dim3A_9 = vector.broadcast %broadcast_in_dim3A_8 : i32 to vector<256x1xi32>
    %get3A_10 = arith.constant 0 : index
    %get3A_11 = arith.constant 0 : index
    %get3A_12 = vector.load %arg2[%get3A_10, %get3A_11] : memref<16384x16xf32, #tpu.memory_space<vmem>>, vector<2048x16xf32>
    %mul3A_13 = arith.mulf %get3A_12, %get3A_12 : vector<2048x16xf32>
    %reduce_sum3A_14 = arith.constant dense<0.000000e+00> : vector<2048xf32>
    %reduce_sum3A_15 = vector.multi_reduction <add>, %mul3A_13, %reduce_sum3A_14 [1] : vector<2048x16xf32> to vector<2048xf32>
    %broadcast_in_dim3A_16 = vector.shape_cast %reduce_sum3A_15 : vector<2048xf32> to vector<1x2048xf32>
    %dot_general3A = arith.constant dense<0.000000e+00> : vector<256x2048xf32>
    %dot_general3A_17 = tpu.matmul %get3A_1, %get3A_12, %dot_general3A {dimension_numbers = #tpu.dot_dimension_numbers<[1], [1], [0], [0], [0, 0, 1, 0], [], []>, transpose_lhs_hint = false} : vector<256x16xf32>, vector<2048x16xf32>, vector<256x2048xf32> -> vector<256x2048xf32>
    %add3A_18 = vector.broadcast %broadcast_in_dim3A : vector<256x1xf32> to vector<256x2048xf32>
    %add3A_19 = vector.broadcast %broadcast_in_dim3A_16 : vector<1x2048xf32> to vector<256x2048xf32>
    %add3A_20 = arith.addf %add3A_18, %add3A_19 : vector<256x2048xf32>
    %mul3A_21 = arith.constant 2.000000e+00 : f32
    %mul3A_22 = vector.broadcast %mul3A_21 : f32 to vector<256x2048xf32>
    %mul3A_23 = arith.mulf %mul3A_22, %dot_general3A_17 : vector<256x2048xf32>
    %sub3A = arith.subf %add3A_20, %mul3A_23 : vector<256x2048xf32>
    %iota3A_24 = tpu.iota {dimensions = array<i32: 1>} : vector<256x2048xi32>
    %add3A_25 = arith.constant 0 : i32
    %add3A_26 = vector.broadcast %add3A_25 : i32 to vector<256x2048xi32>
    %add3A_27 = arith.addi %add3A_26, %iota3A_24 : vector<256x2048xi32>
    %eq3A = arith.cmpi eq, %add3A_27, %add3A_5 : vector<256x2048xi32>
    %jit3A = arith.constant 0x7F800000 : f32
    %broadcast_in_dim3A_28 = vector.broadcast %jit3A : f32 to vector<256x2048xf32>
    %select_n3A = arith.select %eq3A, %broadcast_in_dim3A_28, %sub3A : vector<256x2048xi1>, vector<256x2048xf32>
    %reduce_max3A = arith.constant dense<0xFF800000> : vector<256xf32>
    %reduce_max3A_29 = vector.multi_reduction <maximumf>, %select_n3A, %reduce_max3A [1] : vector<256x2048xf32> to vector<256xf32>
    %broadcast_in_dim3A_30 = vector.shape_cast %reduce_max3A_29 : vector<256xf32> to vector<256x1xf32>
    %eq3A_31 = vector.broadcast %broadcast_in_dim3A_30 : vector<256x1xf32> to vector<256x2048xf32>
    %eq3A_32 = arith.cmpf oeq, %select_n3A, %eq3A_31 : vector<256x2048xf32>
    %jit3A_33 = arith.constant 2147483647 : i32
    %broadcast_in_dim3A_34 = vector.broadcast %jit3A_33 : i32 to vector<256x2048xi32>
    %select_n3A_35 = arith.select %eq3A_32, %add3A_27, %broadcast_in_dim3A_34 : vector<256x2048xi1>, vector<256x2048xi32>
    %reduce_min3A = arith.constant dense<2147483647> : vector<256xi32>
    %reduce_min3A_36 = vector.multi_reduction <minsi>, %select_n3A_35, %reduce_min3A [1] : vector<256x2048xi32> to vector<256xi32>
    %broadcast_in_dim3A_37 = vector.shape_cast %reduce_min3A_36 : vector<256xi32> to vector<256x1xi32>
    %gt3A = arith.cmpf ogt, %broadcast_in_dim3A_30, %broadcast_in_dim3A_7 : vector<256x1xf32>
    %select_n3A_38 = arith.select %gt3A, %broadcast_in_dim3A_30, %broadcast_in_dim3A_7 : vector<256x1xi1>, vector<256x1xf32>
    %select_n3A_39 = arith.select %gt3A, %broadcast_in_dim3A_37, %broadcast_in_dim3A_9 : vector<256x1xi1>, vector<256x1xi32>
    %get3A_40 = arith.constant 2048 : index
    %get3A_41 = arith.constant 0 : index
    %get3A_42 = vector.load %arg2[%get3A_40, %get3A_41] : memref<16384x16xf32, #tpu.memory_space<vmem>>, vector<2048x16xf32>
    %mul3A_43 = arith.mulf %get3A_42, %get3A_42 : vector<2048x16xf32>
    %reduce_sum3A_44 = arith.constant dense<0.000000e+00> : vector<2048xf32>
    %reduce_sum3A_45 = vector.multi_reduction <add>, %mul3A_43, %reduce_sum3A_44 [1] : vector<2048x16xf32> to vector<2048xf32>
    %broadcast_in_dim3A_46 = vector.shape_cast %reduce_sum3A_45 : vector<2048xf32> to vector<1x2048xf32>
    %dot_general3A_47 = arith.constant dense<0.000000e+00> : vector<256x2048xf32>
    %dot_general3A_48 = tpu.matmul %get3A_1, %get3A_42, %dot_general3A_47 {dimension_numbers = #tpu.dot_dimension_numbers<[1], [1], [0], [0], [0, 0, 1, 0], [], []>, transpose_lhs_hint = false} : vector<256x16xf32>, vector<2048x16xf32>, vector<256x2048xf32> -> vector<256x2048xf32>
    %add3A_49 = vector.broadcast %broadcast_in_dim3A : vector<256x1xf32> to vector<256x2048xf32>
    %add3A_50 = vector.broadcast %broadcast_in_dim3A_46 : vector<1x2048xf32> to vector<256x2048xf32>
    %add3A_51 = arith.addf %add3A_49, %add3A_50 : vector<256x2048xf32>
    %mul3A_52 = arith.constant 2.000000e+00 : f32
    %mul3A_53 = vector.broadcast %mul3A_52 : f32 to vector<256x2048xf32>
    %mul3A_54 = arith.mulf %mul3A_53, %dot_general3A_48 : vector<256x2048xf32>
    %sub3A_55 = arith.subf %add3A_51, %mul3A_54 : vector<256x2048xf32>
    %iota3A_56 = tpu.iota {dimensions = array<i32: 1>} : vector<256x2048xi32>
    %add3A_57 = arith.constant 2048 : i32
    %add3A_58 = vector.broadcast %add3A_57 : i32 to vector<256x2048xi32>
    %add3A_59 = arith.addi %add3A_58, %iota3A_56 : vector<256x2048xi32>
    %eq3A_60 = arith.cmpi eq, %add3A_59, %add3A_5 : vector<256x2048xi32>
    %jit3A_61 = arith.constant 0x7F800000 : f32
    %broadcast_in_dim3A_62 = vector.broadcast %jit3A_61 : f32 to vector<256x2048xf32>
    %select_n3A_63 = arith.select %eq3A_60, %broadcast_in_dim3A_62, %sub3A_55 : vector<256x2048xi1>, vector<256x2048xf32>
    %reduce_max3A_64 = arith.constant dense<0xFF800000> : vector<256xf32>
    %reduce_max3A_65 = vector.multi_reduction <maximumf>, %select_n3A_63, %reduce_max3A_64 [1] : vector<256x2048xf32> to vector<256xf32>
    %broadcast_in_dim3A_66 = vector.shape_cast %reduce_max3A_65 : vector<256xf32> to vector<256x1xf32>
    %eq3A_67 = vector.broadcast %broadcast_in_dim3A_66 : vector<256x1xf32> to vector<256x2048xf32>
    %eq3A_68 = arith.cmpf oeq, %select_n3A_63, %eq3A_67 : vector<256x2048xf32>
    %jit3A_69 = arith.constant 2147483647 : i32
    %broadcast_in_dim3A_70 = vector.broadcast %jit3A_69 : i32 to vector<256x2048xi32>
    %select_n3A_71 = arith.select %eq3A_68, %add3A_59, %broadcast_in_dim3A_70 : vector<256x2048xi1>, vector<256x2048xi32>
    %reduce_min3A_72 = arith.constant dense<2147483647> : vector<256xi32>
    %reduce_min3A_73 = vector.multi_reduction <minsi>, %select_n3A_71, %reduce_min3A_72 [1] : vector<256x2048xi32> to vector<256xi32>
    %broadcast_in_dim3A_74 = vector.shape_cast %reduce_min3A_73 : vector<256xi32> to vector<256x1xi32>
    %gt3A_75 = arith.cmpf ogt, %broadcast_in_dim3A_66, %select_n3A_38 : vector<256x1xf32>
    %select_n3A_76 = arith.select %gt3A_75, %broadcast_in_dim3A_66, %select_n3A_38 : vector<256x1xi1>, vector<256x1xf32>
    %select_n3A_77 = arith.select %gt3A_75, %broadcast_in_dim3A_74, %select_n3A_39 : vector<256x1xi1>, vector<256x1xi32>
    %get3A_78 = arith.constant 4096 : index
    %get3A_79 = arith.constant 0 : index
    %get3A_80 = vector.load %arg2[%get3A_78, %get3A_79] : memref<16384x16xf32, #tpu.memory_space<vmem>>, vector<2048x16xf32>
    %mul3A_81 = arith.mulf %get3A_80, %get3A_80 : vector<2048x16xf32>
    %reduce_sum3A_82 = arith.constant dense<0.000000e+00> : vector<2048xf32>
    %reduce_sum3A_83 = vector.multi_reduction <add>, %mul3A_81, %reduce_sum3A_82 [1] : vector<2048x16xf32> to vector<2048xf32>
    %broadcast_in_dim3A_84 = vector.shape_cast %reduce_sum3A_83 : vector<2048xf32> to vector<1x2048xf32>
    %dot_general3A_85 = arith.constant dense<0.000000e+00> : vector<256x2048xf32>
    %dot_general3A_86 = tpu.matmul %get3A_1, %get3A_80, %dot_general3A_85 {dimension_numbers = #tpu.dot_dimension_numbers<[1], [1], [0], [0], [0, 0, 1, 0], [], []>, transpose_lhs_hint = false} : vector<256x16xf32>, vector<2048x16xf32>, vector<256x2048xf32> -> vector<256x2048xf32>
    %add3A_87 = vector.broadcast %broadcast_in_dim3A : vector<256x1xf32> to vector<256x2048xf32>
    %add3A_88 = vector.broadcast %broadcast_in_dim3A_84 : vector<1x2048xf32> to vector<256x2048xf32>
    %add3A_89 = arith.addf %add3A_87, %add3A_88 : vector<256x2048xf32>
    %mul3A_90 = arith.constant 2.000000e+00 : f32
    %mul3A_91 = vector.broadcast %mul3A_90 : f32 to vector<256x2048xf32>
    %mul3A_92 = arith.mulf %mul3A_91, %dot_general3A_86 : vector<256x2048xf32>
    %sub3A_93 = arith.subf %add3A_89, %mul3A_92 : vector<256x2048xf32>
    %iota3A_94 = tpu.iota {dimensions = array<i32: 1>} : vector<256x2048xi32>
    %add3A_95 = arith.constant 4096 : i32
    %add3A_96 = vector.broadcast %add3A_95 : i32 to vector<256x2048xi32>
    %add3A_97 = arith.addi %add3A_96, %iota3A_94 : vector<256x2048xi32>
    %eq3A_98 = arith.cmpi eq, %add3A_97, %add3A_5 : vector<256x2048xi32>
    %jit3A_99 = arith.constant 0x7F800000 : f32
    %broadcast_in_dim3A_100 = vector.broadcast %jit3A_99 : f32 to vector<256x2048xf32>
    %select_n3A_101 = arith.select %eq3A_98, %broadcast_in_dim3A_100, %sub3A_93 : vector<256x2048xi1>, vector<256x2048xf32>
    %reduce_max3A_102 = arith.constant dense<0xFF800000> : vector<256xf32>
    %reduce_max3A_103 = vector.multi_reduction <maximumf>, %select_n3A_101, %reduce_max3A_102 [1] : vector<256x2048xf32> to vector<256xf32>
    %broadcast_in_dim3A_104 = vector.shape_cast %reduce_max3A_103 : vector<256xf32> to vector<256x1xf32>
    %eq3A_105 = vector.broadcast %broadcast_in_dim3A_104 : vector<256x1xf32> to vector<256x2048xf32>
    %eq3A_106 = arith.cmpf oeq, %select_n3A_101, %eq3A_105 : vector<256x2048xf32>
    %jit3A_107 = arith.constant 2147483647 : i32
    %broadcast_in_dim3A_108 = vector.broadcast %jit3A_107 : i32 to vector<256x2048xi32>
    %select_n3A_109 = arith.select %eq3A_106, %add3A_97, %broadcast_in_dim3A_108 : vector<256x2048xi1>, vector<256x2048xi32>
    %reduce_min3A_110 = arith.constant dense<2147483647> : vector<256xi32>
    %reduce_min3A_111 = vector.multi_reduction <minsi>, %select_n3A_109, %reduce_min3A_110 [1] : vector<256x2048xi32> to vector<256xi32>
    %broadcast_in_dim3A_112 = vector.shape_cast %reduce_min3A_111 : vector<256xi32> to vector<256x1xi32>
    %gt3A_113 = arith.cmpf ogt, %broadcast_in_dim3A_104, %select_n3A_76 : vector<256x1xf32>
    %select_n3A_114 = arith.select %gt3A_113, %broadcast_in_dim3A_104, %select_n3A_76 : vector<256x1xi1>, vector<256x1xf32>
    %select_n3A_115 = arith.select %gt3A_113, %broadcast_in_dim3A_112, %select_n3A_77 : vector<256x1xi1>, vector<256x1xi32>
    %get3A_116 = arith.constant 6144 : index
    %get3A_117 = arith.constant 0 : index
    %get3A_118 = vector.load %arg2[%get3A_116, %get3A_117] : memref<16384x16xf32, #tpu.memory_space<vmem>>, vector<2048x16xf32>
    %mul3A_119 = arith.mulf %get3A_118, %get3A_118 : vector<2048x16xf32>
    %reduce_sum3A_120 = arith.constant dense<0.000000e+00> : vector<2048xf32>
    %reduce_sum3A_121 = vector.multi_reduction <add>, %mul3A_119, %reduce_sum3A_120 [1] : vector<2048x16xf32> to vector<2048xf32>
    %broadcast_in_dim3A_122 = vector.shape_cast %reduce_sum3A_121 : vector<2048xf32> to vector<1x2048xf32>
    %dot_general3A_123 = arith.constant dense<0.000000e+00> : vector<256x2048xf32>
    %dot_general3A_124 = tpu.matmul %get3A_1, %get3A_118, %dot_general3A_123 {dimension_numbers = #tpu.dot_dimension_numbers<[1], [1], [0], [0], [0, 0, 1, 0], [], []>, transpose_lhs_hint = false} : vector<256x16xf32>, vector<2048x16xf32>, vector<256x2048xf32> -> vector<256x2048xf32>
    %add3A_125 = vector.broadcast %broadcast_in_dim3A : vector<256x1xf32> to vector<256x2048xf32>
    %add3A_126 = vector.broadcast %broadcast_in_dim3A_122 : vector<1x2048xf32> to vector<256x2048xf32>
    %add3A_127 = arith.addf %add3A_125, %add3A_126 : vector<256x2048xf32>
    %mul3A_128 = arith.constant 2.000000e+00 : f32
    %mul3A_129 = vector.broadcast %mul3A_128 : f32 to vector<256x2048xf32>
    %mul3A_130 = arith.mulf %mul3A_129, %dot_general3A_124 : vector<256x2048xf32>
    %sub3A_131 = arith.subf %add3A_127, %mul3A_130 : vector<256x2048xf32>
    %iota3A_132 = tpu.iota {dimensions = array<i32: 1>} : vector<256x2048xi32>
    %add3A_133 = arith.constant 6144 : i32
    %add3A_134 = vector.broadcast %add3A_133 : i32 to vector<256x2048xi32>
    %add3A_135 = arith.addi %add3A_134, %iota3A_132 : vector<256x2048xi32>
    %eq3A_136 = arith.cmpi eq, %add3A_135, %add3A_5 : vector<256x2048xi32>
    %jit3A_137 = arith.constant 0x7F800000 : f32
    %broadcast_in_dim3A_138 = vector.broadcast %jit3A_137 : f32 to vector<256x2048xf32>
    %select_n3A_139 = arith.select %eq3A_136, %broadcast_in_dim3A_138, %sub3A_131 : vector<256x2048xi1>, vector<256x2048xf32>
    %reduce_max3A_140 = arith.constant dense<0xFF800000> : vector<256xf32>
    %reduce_max3A_141 = vector.multi_reduction <maximumf>, %select_n3A_139, %reduce_max3A_140 [1] : vector<256x2048xf32> to vector<256xf32>
    %broadcast_in_dim3A_142 = vector.shape_cast %reduce_max3A_141 : vector<256xf32> to vector<256x1xf32>
    %eq3A_143 = vector.broadcast %broadcast_in_dim3A_142 : vector<256x1xf32> to vector<256x2048xf32>
    %eq3A_144 = arith.cmpf oeq, %select_n3A_139, %eq3A_143 : vector<256x2048xf32>
    %jit3A_145 = arith.constant 2147483647 : i32
    %broadcast_in_dim3A_146 = vector.broadcast %jit3A_145 : i32 to vector<256x2048xi32>
    %select_n3A_147 = arith.select %eq3A_144, %add3A_135, %broadcast_in_dim3A_146 : vector<256x2048xi1>, vector<256x2048xi32>
    %reduce_min3A_148 = arith.constant dense<2147483647> : vector<256xi32>
    %reduce_min3A_149 = vector.multi_reduction <minsi>, %select_n3A_147, %reduce_min3A_148 [1] : vector<256x2048xi32> to vector<256xi32>
    %broadcast_in_dim3A_150 = vector.shape_cast %reduce_min3A_149 : vector<256xi32> to vector<256x1xi32>
    %gt3A_151 = arith.cmpf ogt, %broadcast_in_dim3A_142, %select_n3A_114 : vector<256x1xf32>
    %select_n3A_152 = arith.select %gt3A_151, %broadcast_in_dim3A_142, %select_n3A_114 : vector<256x1xi1>, vector<256x1xf32>
    %select_n3A_153 = arith.select %gt3A_151, %broadcast_in_dim3A_150, %select_n3A_115 : vector<256x1xi1>, vector<256x1xi32>
    %get3A_154 = arith.constant 8192 : index
    %get3A_155 = arith.constant 0 : index
    %get3A_156 = vector.load %arg2[%get3A_154, %get3A_155] : memref<16384x16xf32, #tpu.memory_space<vmem>>, vector<2048x16xf32>
    %mul3A_157 = arith.mulf %get3A_156, %get3A_156 : vector<2048x16xf32>
    %reduce_sum3A_158 = arith.constant dense<0.000000e+00> : vector<2048xf32>
    %reduce_sum3A_159 = vector.multi_reduction <add>, %mul3A_157, %reduce_sum3A_158 [1] : vector<2048x16xf32> to vector<2048xf32>
    %broadcast_in_dim3A_160 = vector.shape_cast %reduce_sum3A_159 : vector<2048xf32> to vector<1x2048xf32>
    %dot_general3A_161 = arith.constant dense<0.000000e+00> : vector<256x2048xf32>
    %dot_general3A_162 = tpu.matmul %get3A_1, %get3A_156, %dot_general3A_161 {dimension_numbers = #tpu.dot_dimension_numbers<[1], [1], [0], [0], [0, 0, 1, 0], [], []>, transpose_lhs_hint = false} : vector<256x16xf32>, vector<2048x16xf32>, vector<256x2048xf32> -> vector<256x2048xf32>
    %add3A_163 = vector.broadcast %broadcast_in_dim3A : vector<256x1xf32> to vector<256x2048xf32>
    %add3A_164 = vector.broadcast %broadcast_in_dim3A_160 : vector<1x2048xf32> to vector<256x2048xf32>
    %add3A_165 = arith.addf %add3A_163, %add3A_164 : vector<256x2048xf32>
    %mul3A_166 = arith.constant 2.000000e+00 : f32
    %mul3A_167 = vector.broadcast %mul3A_166 : f32 to vector<256x2048xf32>
    %mul3A_168 = arith.mulf %mul3A_167, %dot_general3A_162 : vector<256x2048xf32>
    %sub3A_169 = arith.subf %add3A_165, %mul3A_168 : vector<256x2048xf32>
    %iota3A_170 = tpu.iota {dimensions = array<i32: 1>} : vector<256x2048xi32>
    %add3A_171 = arith.constant 8192 : i32
    %add3A_172 = vector.broadcast %add3A_171 : i32 to vector<256x2048xi32>
    %add3A_173 = arith.addi %add3A_172, %iota3A_170 : vector<256x2048xi32>
    %eq3A_174 = arith.cmpi eq, %add3A_173, %add3A_5 : vector<256x2048xi32>
    %jit3A_175 = arith.constant 0x7F800000 : f32
    %broadcast_in_dim3A_176 = vector.broadcast %jit3A_175 : f32 to vector<256x2048xf32>
    %select_n3A_177 = arith.select %eq3A_174, %broadcast_in_dim3A_176, %sub3A_169 : vector<256x2048xi1>, vector<256x2048xf32>
    %reduce_max3A_178 = arith.constant dense<0xFF800000> : vector<256xf32>
    %reduce_max3A_179 = vector.multi_reduction <maximumf>, %select_n3A_177, %reduce_max3A_178 [1] : vector<256x2048xf32> to vector<256xf32>
    %broadcast_in_dim3A_180 = vector.shape_cast %reduce_max3A_179 : vector<256xf32> to vector<256x1xf32>
    %eq3A_181 = vector.broadcast %broadcast_in_dim3A_180 : vector<256x1xf32> to vector<256x2048xf32>
    %eq3A_182 = arith.cmpf oeq, %select_n3A_177, %eq3A_181 : vector<256x2048xf32>
    %jit3A_183 = arith.constant 2147483647 : i32
    %broadcast_in_dim3A_184 = vector.broadcast %jit3A_183 : i32 to vector<256x2048xi32>
    %select_n3A_185 = arith.select %eq3A_182, %add3A_173, %broadcast_in_dim3A_184 : vector<256x2048xi1>, vector<256x2048xi32>
    %reduce_min3A_186 = arith.constant dense<2147483647> : vector<256xi32>
    %reduce_min3A_187 = vector.multi_reduction <minsi>, %select_n3A_185, %reduce_min3A_186 [1] : vector<256x2048xi32> to vector<256xi32>
    %broadcast_in_dim3A_188 = vector.shape_cast %reduce_min3A_187 : vector<256xi32> to vector<256x1xi32>
    %gt3A_189 = arith.cmpf ogt, %broadcast_in_dim3A_180, %select_n3A_152 : vector<256x1xf32>
    %select_n3A_190 = arith.select %gt3A_189, %broadcast_in_dim3A_180, %select_n3A_152 : vector<256x1xi1>, vector<256x1xf32>
    %select_n3A_191 = arith.select %gt3A_189, %broadcast_in_dim3A_188, %select_n3A_153 : vector<256x1xi1>, vector<256x1xi32>
    %get3A_192 = arith.constant 10240 : index
    %get3A_193 = arith.constant 0 : index
    %get3A_194 = vector.load %arg2[%get3A_192, %get3A_193] : memref<16384x16xf32, #tpu.memory_space<vmem>>, vector<2048x16xf32>
    %mul3A_195 = arith.mulf %get3A_194, %get3A_194 : vector<2048x16xf32>
    %reduce_sum3A_196 = arith.constant dense<0.000000e+00> : vector<2048xf32>
    %reduce_sum3A_197 = vector.multi_reduction <add>, %mul3A_195, %reduce_sum3A_196 [1] : vector<2048x16xf32> to vector<2048xf32>
    %broadcast_in_dim3A_198 = vector.shape_cast %reduce_sum3A_197 : vector<2048xf32> to vector<1x2048xf32>
    %dot_general3A_199 = arith.constant dense<0.000000e+00> : vector<256x2048xf32>
    %dot_general3A_200 = tpu.matmul %get3A_1, %get3A_194, %dot_general3A_199 {dimension_numbers = #tpu.dot_dimension_numbers<[1], [1], [0], [0], [0, 0, 1, 0], [], []>, transpose_lhs_hint = false} : vector<256x16xf32>, vector<2048x16xf32>, vector<256x2048xf32> -> vector<256x2048xf32>
    %add3A_201 = vector.broadcast %broadcast_in_dim3A : vector<256x1xf32> to vector<256x2048xf32>
    %add3A_202 = vector.broadcast %broadcast_in_dim3A_198 : vector<1x2048xf32> to vector<256x2048xf32>
    %add3A_203 = arith.addf %add3A_201, %add3A_202 : vector<256x2048xf32>
    %mul3A_204 = arith.constant 2.000000e+00 : f32
    %mul3A_205 = vector.broadcast %mul3A_204 : f32 to vector<256x2048xf32>
    %mul3A_206 = arith.mulf %mul3A_205, %dot_general3A_200 : vector<256x2048xf32>
    %sub3A_207 = arith.subf %add3A_203, %mul3A_206 : vector<256x2048xf32>
    %iota3A_208 = tpu.iota {dimensions = array<i32: 1>} : vector<256x2048xi32>
    %add3A_209 = arith.constant 10240 : i32
    %add3A_210 = vector.broadcast %add3A_209 : i32 to vector<256x2048xi32>
    %add3A_211 = arith.addi %add3A_210, %iota3A_208 : vector<256x2048xi32>
    %eq3A_212 = arith.cmpi eq, %add3A_211, %add3A_5 : vector<256x2048xi32>
    %jit3A_213 = arith.constant 0x7F800000 : f32
    %broadcast_in_dim3A_214 = vector.broadcast %jit3A_213 : f32 to vector<256x2048xf32>
    %select_n3A_215 = arith.select %eq3A_212, %broadcast_in_dim3A_214, %sub3A_207 : vector<256x2048xi1>, vector<256x2048xf32>
    %reduce_max3A_216 = arith.constant dense<0xFF800000> : vector<256xf32>
    %reduce_max3A_217 = vector.multi_reduction <maximumf>, %select_n3A_215, %reduce_max3A_216 [1] : vector<256x2048xf32> to vector<256xf32>
    %broadcast_in_dim3A_218 = vector.shape_cast %reduce_max3A_217 : vector<256xf32> to vector<256x1xf32>
    %eq3A_219 = vector.broadcast %broadcast_in_dim3A_218 : vector<256x1xf32> to vector<256x2048xf32>
    %eq3A_220 = arith.cmpf oeq, %select_n3A_215, %eq3A_219 : vector<256x2048xf32>
    %jit3A_221 = arith.constant 2147483647 : i32
    %broadcast_in_dim3A_222 = vector.broadcast %jit3A_221 : i32 to vector<256x2048xi32>
    %select_n3A_223 = arith.select %eq3A_220, %add3A_211, %broadcast_in_dim3A_222 : vector<256x2048xi1>, vector<256x2048xi32>
    %reduce_min3A_224 = arith.constant dense<2147483647> : vector<256xi32>
    %reduce_min3A_225 = vector.multi_reduction <minsi>, %select_n3A_223, %reduce_min3A_224 [1] : vector<256x2048xi32> to vector<256xi32>
    %broadcast_in_dim3A_226 = vector.shape_cast %reduce_min3A_225 : vector<256xi32> to vector<256x1xi32>
    %gt3A_227 = arith.cmpf ogt, %broadcast_in_dim3A_218, %select_n3A_190 : vector<256x1xf32>
    %select_n3A_228 = arith.select %gt3A_227, %broadcast_in_dim3A_218, %select_n3A_190 : vector<256x1xi1>, vector<256x1xf32>
    %select_n3A_229 = arith.select %gt3A_227, %broadcast_in_dim3A_226, %select_n3A_191 : vector<256x1xi1>, vector<256x1xi32>
    %get3A_230 = arith.constant 12288 : index
    %get3A_231 = arith.constant 0 : index
    %get3A_232 = vector.load %arg2[%get3A_230, %get3A_231] : memref<16384x16xf32, #tpu.memory_space<vmem>>, vector<2048x16xf32>
    %mul3A_233 = arith.mulf %get3A_232, %get3A_232 : vector<2048x16xf32>
    %reduce_sum3A_234 = arith.constant dense<0.000000e+00> : vector<2048xf32>
    %reduce_sum3A_235 = vector.multi_reduction <add>, %mul3A_233, %reduce_sum3A_234 [1] : vector<2048x16xf32> to vector<2048xf32>
    %broadcast_in_dim3A_236 = vector.shape_cast %reduce_sum3A_235 : vector<2048xf32> to vector<1x2048xf32>
    %dot_general3A_237 = arith.constant dense<0.000000e+00> : vector<256x2048xf32>
    %dot_general3A_238 = tpu.matmul %get3A_1, %get3A_232, %dot_general3A_237 {dimension_numbers = #tpu.dot_dimension_numbers<[1], [1], [0], [0], [0, 0, 1, 0], [], []>, transpose_lhs_hint = false} : vector<256x16xf32>, vector<2048x16xf32>, vector<256x2048xf32> -> vector<256x2048xf32>
    %add3A_239 = vector.broadcast %broadcast_in_dim3A : vector<256x1xf32> to vector<256x2048xf32>
    %add3A_240 = vector.broadcast %broadcast_in_dim3A_236 : vector<1x2048xf32> to vector<256x2048xf32>
    %add3A_241 = arith.addf %add3A_239, %add3A_240 : vector<256x2048xf32>
    %mul3A_242 = arith.constant 2.000000e+00 : f32
    %mul3A_243 = vector.broadcast %mul3A_242 : f32 to vector<256x2048xf32>
    %mul3A_244 = arith.mulf %mul3A_243, %dot_general3A_238 : vector<256x2048xf32>
    %sub3A_245 = arith.subf %add3A_241, %mul3A_244 : vector<256x2048xf32>
    %iota3A_246 = tpu.iota {dimensions = array<i32: 1>} : vector<256x2048xi32>
    %add3A_247 = arith.constant 12288 : i32
    %add3A_248 = vector.broadcast %add3A_247 : i32 to vector<256x2048xi32>
    %add3A_249 = arith.addi %add3A_248, %iota3A_246 : vector<256x2048xi32>
    %eq3A_250 = arith.cmpi eq, %add3A_249, %add3A_5 : vector<256x2048xi32>
    %jit3A_251 = arith.constant 0x7F800000 : f32
    %broadcast_in_dim3A_252 = vector.broadcast %jit3A_251 : f32 to vector<256x2048xf32>
    %select_n3A_253 = arith.select %eq3A_250, %broadcast_in_dim3A_252, %sub3A_245 : vector<256x2048xi1>, vector<256x2048xf32>
    %reduce_max3A_254 = arith.constant dense<0xFF800000> : vector<256xf32>
    %reduce_max3A_255 = vector.multi_reduction <maximumf>, %select_n3A_253, %reduce_max3A_254 [1] : vector<256x2048xf32> to vector<256xf32>
    %broadcast_in_dim3A_256 = vector.shape_cast %reduce_max3A_255 : vector<256xf32> to vector<256x1xf32>
    %eq3A_257 = vector.broadcast %broadcast_in_dim3A_256 : vector<256x1xf32> to vector<256x2048xf32>
    %eq3A_258 = arith.cmpf oeq, %select_n3A_253, %eq3A_257 : vector<256x2048xf32>
    %jit3A_259 = arith.constant 2147483647 : i32
    %broadcast_in_dim3A_260 = vector.broadcast %jit3A_259 : i32 to vector<256x2048xi32>
    %select_n3A_261 = arith.select %eq3A_258, %add3A_249, %broadcast_in_dim3A_260 : vector<256x2048xi1>, vector<256x2048xi32>
    %reduce_min3A_262 = arith.constant dense<2147483647> : vector<256xi32>
    %reduce_min3A_263 = vector.multi_reduction <minsi>, %select_n3A_261, %reduce_min3A_262 [1] : vector<256x2048xi32> to vector<256xi32>
    %broadcast_in_dim3A_264 = vector.shape_cast %reduce_min3A_263 : vector<256xi32> to vector<256x1xi32>
    %gt3A_265 = arith.cmpf ogt, %broadcast_in_dim3A_256, %select_n3A_228 : vector<256x1xf32>
    %select_n3A_266 = arith.select %gt3A_265, %broadcast_in_dim3A_256, %select_n3A_228 : vector<256x1xi1>, vector<256x1xf32>
    %select_n3A_267 = arith.select %gt3A_265, %broadcast_in_dim3A_264, %select_n3A_229 : vector<256x1xi1>, vector<256x1xi32>
    %get3A_268 = arith.constant 14336 : index
    %get3A_269 = arith.constant 0 : index
    %get3A_270 = vector.load %arg2[%get3A_268, %get3A_269] : memref<16384x16xf32, #tpu.memory_space<vmem>>, vector<2048x16xf32>
    %mul3A_271 = arith.mulf %get3A_270, %get3A_270 : vector<2048x16xf32>
    %reduce_sum3A_272 = arith.constant dense<0.000000e+00> : vector<2048xf32>
    %reduce_sum3A_273 = vector.multi_reduction <add>, %mul3A_271, %reduce_sum3A_272 [1] : vector<2048x16xf32> to vector<2048xf32>
    %broadcast_in_dim3A_274 = vector.shape_cast %reduce_sum3A_273 : vector<2048xf32> to vector<1x2048xf32>
    %dot_general3A_275 = arith.constant dense<0.000000e+00> : vector<256x2048xf32>
    %dot_general3A_276 = tpu.matmul %get3A_1, %get3A_270, %dot_general3A_275 {dimension_numbers = #tpu.dot_dimension_numbers<[1], [1], [0], [0], [0, 0, 1, 0], [], []>, transpose_lhs_hint = false} : vector<256x16xf32>, vector<2048x16xf32>, vector<256x2048xf32> -> vector<256x2048xf32>
    %add3A_277 = vector.broadcast %broadcast_in_dim3A : vector<256x1xf32> to vector<256x2048xf32>
    %add3A_278 = vector.broadcast %broadcast_in_dim3A_274 : vector<1x2048xf32> to vector<256x2048xf32>
    %add3A_279 = arith.addf %add3A_277, %add3A_278 : vector<256x2048xf32>
    %mul3A_280 = arith.constant 2.000000e+00 : f32
    %mul3A_281 = vector.broadcast %mul3A_280 : f32 to vector<256x2048xf32>
    %mul3A_282 = arith.mulf %mul3A_281, %dot_general3A_276 : vector<256x2048xf32>
    %sub3A_283 = arith.subf %add3A_279, %mul3A_282 : vector<256x2048xf32>
    %iota3A_284 = tpu.iota {dimensions = array<i32: 1>} : vector<256x2048xi32>
    %add3A_285 = arith.constant 14336 : i32
    %add3A_286 = vector.broadcast %add3A_285 : i32 to vector<256x2048xi32>
    %add3A_287 = arith.addi %add3A_286, %iota3A_284 : vector<256x2048xi32>
    %eq3A_288 = arith.cmpi eq, %add3A_287, %add3A_5 : vector<256x2048xi32>
    %jit3A_289 = arith.constant 0x7F800000 : f32
    %broadcast_in_dim3A_290 = vector.broadcast %jit3A_289 : f32 to vector<256x2048xf32>
    %select_n3A_291 = arith.select %eq3A_288, %broadcast_in_dim3A_290, %sub3A_283 : vector<256x2048xi1>, vector<256x2048xf32>
    %reduce_max3A_292 = arith.constant dense<0xFF800000> : vector<256xf32>
    %reduce_max3A_293 = vector.multi_reduction <maximumf>, %select_n3A_291, %reduce_max3A_292 [1] : vector<256x2048xf32> to vector<256xf32>
    %broadcast_in_dim3A_294 = vector.shape_cast %reduce_max3A_293 : vector<256xf32> to vector<256x1xf32>
    %eq3A_295 = vector.broadcast %broadcast_in_dim3A_294 : vector<256x1xf32> to vector<256x2048xf32>
    %eq3A_296 = arith.cmpf oeq, %select_n3A_291, %eq3A_295 : vector<256x2048xf32>
    %jit3A_297 = arith.constant 2147483647 : i32
    %broadcast_in_dim3A_298 = vector.broadcast %jit3A_297 : i32 to vector<256x2048xi32>
    %select_n3A_299 = arith.select %eq3A_296, %add3A_287, %broadcast_in_dim3A_298 : vector<256x2048xi1>, vector<256x2048xi32>
    %reduce_min3A_300 = arith.constant dense<2147483647> : vector<256xi32>
    %reduce_min3A_301 = vector.multi_reduction <minsi>, %select_n3A_299, %reduce_min3A_300 [1] : vector<256x2048xi32> to vector<256xi32>
    %broadcast_in_dim3A_302 = vector.shape_cast %reduce_min3A_301 : vector<256xi32> to vector<256x1xi32>
    %gt3A_303 = arith.cmpf ogt, %broadcast_in_dim3A_294, %select_n3A_266 : vector<256x1xf32>
    %select_n3A_304 = arith.select %gt3A_303, %broadcast_in_dim3A_302, %select_n3A_267 : vector<256x1xi1>, vector<256x1xi32>
    %swap3A = arith.constant 0 : index
    %swap3A_305 = arith.constant 0 : index
    %swap3A_306 = vector.load %arg3[%swap3A, %swap3A_305] : memref<256x1xi32, #tpu.memory_space<vmem>>, vector<256x1xi32>
    tpu.vector_store %arg3[%swap3A, %swap3A_305], %select_n3A_304 {strides = array<i32>} : memref<256x1xi32, #tpu.memory_space<vmem>>, vector<256x1xi32>,
    return
  }
  func.func @transform_0(%arg0: i32) -> (i32, i32) {
    %c0_i32 = arith.constant 0 : i32
    %c0_i32_0 = arith.constant 0 : i32
    return %arg0, %c0_i32 : i32, i32
  }
  func.func @transform_1(%arg0: i32) -> (i32, i32) {
    %c0_i32 = arith.constant 0 : i32
    %c0_i32_0 = arith.constant 0 : i32
    %c0_i32_1 = arith.constant 0 : i32
    return %c0_i32, %c0_i32_0 : i32, i32
  }
  func.func @transform_2(%arg0: i32) -> (i32, i32) {
    %c0_i32 = arith.constant 0 : i32
    %c0_i32_0 = arith.constant 0 : i32
    return %arg0, %c0_i32 : i32, i32
  }
}

</mosaic_0001>

<sc_bundles>
// kernel: kernel.4.cloned.1.call-start
scs
__scs_entry_jumppad:
0x0: {  	(pc) =	sbr.rel $0x88, $3  }
0x1: {  	(tag) =	ssettag $0x0;
	lr =	simm.s32 $0x1  }
0x2: {  	[smem:$0x3FA0] =	sst lr;
	_ =	strace $0xD0000000  }
0x3: {  	_ = 	snop  }
0x4: {  	_ = 	snop  }
0x5: {  	_ = 	snop  }
0x6: {  	_ = 	snop  }
0x7: {  	_ = 	snop  }
__scs_overlays_trampoline_lowered:
0x8: {  	[smem:$0x3FAF] =	sst s0  }
0x9: {  	[smem:$0x3FB0] =	sst s1  }
0xa: {  	[smem:$0x3FB1] =	sst s2  }
0xb: {  	[smem:$0x3FB2] =	sst s3  }
0xc: {  	[smem:$0x3FB3] =	sst s4  }
0xd: {  	[smem:$0x3FB4] =	sst s5  }
0xe: {  	[smem:$0x3FB5] =	sst s6  }
0xf: {  	[smem:$0x3FB6] =	sst s7  }
0x10: {  	[smem:$0x3FB7] =	sst s8  }
0x11: {  	[smem:$0x3FB8] =	sst s9;
	s0 =	simm.s32 @!p0 $0x0  }
0x12: {  	s1 =	sld [smem:$0x3F9E];
	s0 =	simm.s32 @p0 $0x1  }
0x13: {  	[smem:$0x3FB9] =	sst s0;
	s0 =	simm.s32 @!p1 $0x0  }
0x14: {  	s2 =	sld [smem:$0x3F9D];
	s0 =	simm.s32 @p1 $0x1  }
0x15: {  	[smem:$0x3FBA] =	sst s0;
	s0 =	simm.s32 @!p2 $0x0  }
0x16: {  	s3 =	sld [smem:$0x3FDB];
	s0 =	simm.s32 @p2 $0x1  }
0x17: {  	s4 =	simm.s32 $0x1BF5;
	[smem:$0x3FBC] =	sst s0  }
0x18: {  	s0 =	sld [smem:$0x3F9F];
	_ =	swait.ge [sflag:s4], $0x0  }
0x19: {  	s7 =	sld [smem:$0x3FA0]  }
0x1a: {  	s8 =	sadd.s32 $0xFFFFE003, lr  }
0x1b: {  	s9 =	sadd.s32 $0xFFFFFEF7, lr;
	s5 =	simm.s32 $0xFFFFFFFF;
	p2 =	slt.u32 s8, $0xFFFFF086  }
0x1c: {  	p1 =	slt.u32 s9, $0xF7A;
	s5 =	simm.s32 @!p2 $0x0  }
0x1d: {  	s5 =	simm.s32 @p1 $0x1;
	p0 =	seq.s32 s7, s2  }
0x1e: {  	s7 =	smul.u32 @!p0 $0xF7A, s2;
	p2 =	seq.s32 @!p0 s5, $0x0  }
0x1f: {  	s9 =	smul.u32 $0xF7A, s1;
	s8 =	simm.s32 @!p0 $0x1BF5;
	p2 =	por !p2, p0  }
0x20: {  	[sflag:s8] =	ssyncset.s32 @!p0 $0xFFFFF086;
	s6 =	sadd.s32 @!p0 s3, s7;
	s7 =	simm.s32 @!p0 $0x108  }
0x21: {  	s3 =	sadd.s32 s3, s9;
	s6 =	sadd.s32 @!p0 $0x88, s6;
	s7 =	simm.s32 @p2 $0x1082  }
0x22: {  	[simem:s7], [sflag:s8] =	dma.local @!p0 [hbm:s6], $0xF7A  }
0x23: {  	s9 =	sor.u32 $0xD0000000, s2;
	s6 =	simm.s32 $0x108;
	_ =	swait.ge @!p0 [sflag:s8], $0x0  }
0x24: {  	s3 =	sadd.s32 $0x88, s3;
	s6 =	simm.s32 @!p1 $0x1082;
	[sflag:s4] =	ssyncset.s32 $0xFFFFF086  }
0x25: {  	[simem:s6], [sflag:s4] =	dma.local [hbm:s3], $0xF7A  }
0x26: {  	[smem:$0x3FA0] =	sst s1;
	(tag) =	ssettag s2;
	_ =	strace s9  }
0x27: {  	s1 =	sld [smem:$0x3FB0]  }
0x28: {  	s2 =	sld [smem:$0x3FB1]  }
0x29: {  	s4 =	sld [smem:$0x3FB3]  }
0x2a: {  	p0 =	seq.s32 s5, $0x0;
	s5 =	sld [smem:$0x3FB4]  }
0x2b: {  	s6 =	sld [smem:$0x3FB5]  }
0x2c: {  	s7 =	sld [smem:$0x3FB6]  }
0x2d: {  	s3 =	simm.s32 $0x108;
	s8 =	sld [smem:$0x3FB7]  }
0x2e: {  	s3 =	simm.s32 @!p0 $0x1082;
	s9 =	sld [smem:$0x3FB8]  }
0x2f: {  	lr =	sadd.s32 s0, s3;
	s0 =	sld [smem:$0x3FAF]  }
0x30: {  	s3 =	sld [smem:$0x3FB2]  }
0x31: {  	[smem:$0x3FBB] =	sst s10  }
0x32: {  	s10 =	sld [smem:$0x3FB9];
	_ =	sdelay $0x3  }
0x33: {  	p0 =	seq.s32 s10, $0x1;
	s10 =	sld [smem:$0x3FBB];
	_ =	sdelay $0x3  }
0x34: {  	[smem:$0x3FBB] =	sst s10  }
0x35: {  	s10 =	sld [smem:$0x3FBA];
	_ =	sdelay $0x3  }
0x36: {  	p1 =	seq.s32 s10, $0x1;
	s10 =	sld [smem:$0x3FBB];
	_ =	sdelay $0x3  }
0x37: {  	[smem:$0x3FBB] =	sst s10  }
0x38: {  	s10 =	sld [smem:$0x3FBC]  }
0x39: {  	_ = 	snop;
	(pc) =	sbr.ind lr, $3  }
0x3a: {  	_ = 	snop  }
0x3b: {  	_ = 	snop  }
0x3c: {  	p2 =	seq.s32 s10, $0x1;
	s10 =	sld [smem:$0x3FBB]  }
0x3d: {  	_ =	shalt  }
0x3e: {  	_ =	shalt  }
0x3f: {  	_ =	shalt  }
0x40: {  	_ =	shalt  }
0x41: {  	_ =	shalt  }
0x42: {  	_ =	shalt  }
0x43: {  	_ =	shalt  }
0x44: {  	_ =	shalt  }
0x45: {  	_ =	shalt  }
0x46: {  	_ =	shalt  }
0x47: {  	_ =	shalt  }
0x48: {  	_ =	shalt  }
0x49: {  	_ =	shalt  }
0x4a: {  	_ =	shalt  }
0x4b: {  	_ =	shalt  }
0x4c: {  	_ =	shalt  }
0x4d: {  	_ =	shalt  }
0x4e: {  	_ =	shalt  }
0x4f: {  	_ =	shalt  }
0x50: {  	_ =	shalt  }
0x51: {  	_ =	shalt  }
0x52: {  	_ =	shalt  }
0x53: {  	_ =	shalt  }
0x54: {  	_ =	shalt  }
0x55: {  	_ =	shalt  }
0x56: {  	_ =	shalt  }
0x57: {  	_ =	shalt  }
0x58: {  	_ =	shalt  }
0x59: {  	_ =	shalt  }
0x5a: {  	_ =	shalt  }
0x5b: {  	_ =	shalt  }
0x5c: {  	_ =	shalt  }
0x5d: {  	_ =	shalt  }
0x5e: {  	_ =	shalt  }
0x5f: {  	_ =	shalt  }
0x60: {  	_ =	shalt  }
0x61: {  	_ =	shalt  }
0x62: {  	_ =	shalt  }
0x63: {  	_ =	shalt  }
0x64: {  	_ =	shalt  }
0x65: {  	_ =	shalt  }
0x66: {  	_ =	shalt  }
0x67: {  	_ =	shalt  }
0x68: {  	_ =	shalt  }
0x69: {  	_ =	shalt  }
0x6a: {  	_ =	shalt  }
0x6b: {  	_ =	shalt  }
0x6c: {  	_ =	shalt  }
0x6d: {  	_ =	shalt  }
0x6e: {  	_ =	shalt  }
0x6f: {  	_ =	shalt  }
0x70: {  	_ =	shalt  }
0x71: {  	_ =	shalt  }
0x72: {  	_ =	shalt  }
0x73: {  	_ =	shalt  }
0x74: {  	_ =	shalt  }
0x75: {  	_ =	shalt  }
0x76: {  	_ =	shalt  }
0x77: {  	_ =	shalt  }
0x78: {  	_ =	shalt  }
0x79: {  	_ =	shalt  }
0x7a: {  	_ =	shalt  }
0x7b: {  	_ =	shalt  }
0x7c: {  	_ =	shalt  }
0x7d: {  	_ =	shalt  }
0x7e: {  	_ =	shalt  }
0x7f: {  	_ =	shalt  }
0x80: {  	_ =	shalt  }
0x81: {  	_ =	shalt  }
0x82: {  	_ =	shalt  }
0x83: {  	_ =	shalt  }
0x84: {  	_ =	shalt  }
0x85: {  	_ =	shalt  }
0x86: {  	_ =	shalt  }
0x87: {  	_ =	shalt  }
.Lfunc_end0:
.L_simem_size_0:
called_computation_lowered:
.L_overlay_start_0:
0x88: {  	s2 =	sld [smem:$0x3FD9]  }
0x89: {  	s3 =	sld [smem:$0x3FFE];
	_ =	sdelay $0x1  }
0x8a: {  	s1 =	srdreg.scid  }
0x8b: {  	s0 =	sand.u32 $0x1, s1  }
0x8c: {  	s17 =	sshll.u32 s0, $0xA;
	s2 =	sadd.s32 s3, s2  }
0x8d: {  	s2 =	sadd.s32 s2, s17  }
0x8e: {  	[smem:$0x3FC7] =	sst s2  }
0x8f: {  	_ = 	snop  }
0x90: {  	s2 =	sld [smem:$0x3FD0];
	(tm) =	ssettm $0x1  }
0x91: {  	s18 =	sld [smem:$0x3FFB];
	_ =	sdelay $0x3  }
0x92: {  	_ =	strace s18  }
0x93: {  	s3 =	sld [smem:$0x3FFC];
	_ =	sdelay $0x3  }
0x94: {  	_ =	strace s3  }
0x95: {  	s3 =	sld [smem:$0x3FFD];
	_ =	sdelay $0x3  }
0x96: {  	_ =	strace s3  }
0x97: {  	_ =	strace $0x8FFFFFFF  }
0x98: {  	s19 =	sld [smem:$0x3FDB];
	_ =	sdelay $0x1  }
0x99: {  	s4 =	simm.s32 $_scs_section_size  }
0x9a: {  	s5 =	simm.s32 $_size__tile_overlayer_lowered;
	s6 =	simm.s32 $_tile_overlayer_lowered  }
0x9b: {  	s22 =	simm.s32 $0x1BFF;
	s21 =	sshll.u32 s6, $0x1;
	s3 =	sadd.s32 s4, s19  }
0x9c: {  	s7 =	simm.s32 $0x0;
	s20 =	sshll.u32 s5, $0x1;
	s5 =	sadd.s32 s21, s3  }
0x9d: {  	[timem:s7], [sflag:s22] =	dma.local [hbm:s5], s20  }
0x9e: {  	_ =	swait.ge [sflag:s22], s20  }
0x9f: {  	s4 =	ssub.s32 $0x0, s20;
	[sflag:s22] =	ssyncset.done $0x0  }
0xa0: {  	[sflag:s22] =	ssyncadd.s32 s4;
	_ =	sdelay $0x1  }
0xa1: {  	s23 =	simm.s32 $0x1B8B  }
0xa2: {  	_ =	swait.ge [sflag:s23], $0x1  }
0xa3: {  	[sflag:s23] =	ssyncset.done $0x0  }
0xa4: {  	s25 =	simm.s32 $0x1B8E;
	s24 =	sld [smem:$0x3FFE];
	[sflag:s23] =	ssyncadd.s32 $0xFFFFFFFF  }
0xa5: {  	s26 =	simm.s32 $execute0_lowered;
	[smem:$0x3FD2] =	sst s25  }
0xa6: {  	s5 =	sshll.u32 s26, $0x1;
	_ =	strace $0x80000046;
	[dreg:$0x1] =	wrdreg $0xFFFFFFFF  }
0xa7: {  	s28 =	simm.s32 $_size_execute0_lowered;
	s3 =	sadd.s32 s3, s5;
	[dreg:$0x0] =	wrdreg $0x0  }
0xa8: {  	s5 =	sshll.u32 s28, $0x1;
	[dreg:$0x2] =	wrdreg s3  }
0xa9: {  	[dreg:$0x3] =	wrdreg s5  }
0xaa: {  	[dreg:$0x4] =	wrdreg $0xC0  }
0xab: {  	_ =	task [dreg:s7], $0x5FFFF  }
0xac: {  	[dreg:$0x1] =	wrdreg $0xFFFFFFFF  }
0xad: {  	[dreg:$0x0] =	wrdreg $0x60  }
0xae: {  	[dreg:$0x2] =	wrdreg s2  }
0xaf: {  	[dreg:$0x3] =	wrdreg s24  }
0xb0: {  	[dreg:$0x4] =	wrdreg $0x9  }
0xb1: {  	_ =	task.clear_ibuf [dreg:s7], $0x5FFFF;
	_ =	strace $0x90000046  }
0xb2: {  	s29 =	simm.s32 $0x9;
	_ =	strace $0x80000048  }
0xb3: {  	_ =	swait.ge [sflag:s29], $0x1  }
0xb4: {  	[sflag:s29] =	ssyncadd.s32 $0xFFFFFFFF  }
0xb5: {  	_ =	strace $0x90000048  }
0xb6: {  	_ =	sfence  }
0xb7: {  	s30 =	sld [smem:$0x0];
	_ =	sdelay $0x2  }
0xb8: {  	s31 =	sshll.u32 s1, $0xD;
	s1 =	sshrl.u32 s1, $0x2  }
0xb9: {  	s3 =	sand.u32 $0x4000, s31;
	s1 =	sadd.s32 s1, s30  }
0xba: {  	s0 =	sor.u32 s3, s0;
	s1 =	sshll.u32 s1, $0x11  }
0xbb: {  	s0 =	sor.u32 s1, s0  }
0xbc: {  	s0 =	sadd.s32 $0x8F2B, s0  }
0xbd: {  	[sflag:s0] =	ssyncadd.remote.s32 $0x1  }
0xbe: {  	_ =	sfence.sel $0xFFFF  }
0xbf: {  	[dreg:$0x0] =	wrdreg $0xFFFFFFFF;
	(pc) =	sbr.abs _section_cstart, $3  }
0xc0: {  	[dreg:$0x1] =	wrdreg $0xFFFFFFFF  }
0xc1: {  	_ =	task.clear_ibuf [dreg:s7], $0x2FFFF;
	_ =	strace $0x9FFFFFFF  }
0xc2: {  	(tm) =	ssettm $0x7FFFFFFF  }
0xc3: {  	_ =	shalt  }
tec
execute0_lowered:
.L_overlay_start_1:
0x0: {  	(tag) =	ssettag $0x1  }
0x1: {  	s1 =	srdreg.scid;
	s2 =	rddreg [dreg:$0x0]  }
0x2: {  	s0 =	stileid.u32;
	s8 =	rddreg [dreg:$0x1];
	s6 =	sand.u32 $0x1, s1  }
0x3: {  	s3 =	simm.s32 $0x0;
	s4 =	sshll.u32 s0, $0xA;
	s5 =	sshll.u32 s6, $0x9  }
0x4: {  	s7 =	simm.s32 $0x1;
	[smem:$0x7FF] =	sst s3;
	s9 =	sor.u32 s5, s4  }
0x5: {  	s1 =	rddreg [dreg:$0x2];
	_ =	strace $0x80000047;
	s4 =	sshrl.u32 s9, $0x3  }
0x6: {  	s10 =	ssub.s32 $0x2, s6;
	s5 =	sadd.s32 s8, s4;
	s4 =	simm.s32 $0x2  }
0x7: {  	[tilespmem:s3], [sflag:$0x2] =	stream.linear.gather [hbm4b:s5+s3], $0x200, $0x38;
	[tilespmem:$0x2200] =	vst v63  }
0x8: {  	s6 =	simm.s32 $0x200;
	s11 =	sshrl.u32 s10, $0x1;
	_ =	swait.ge [sflag:s4], $0x200  }
0x9: {  	s9 =	sshll.u32 s9, $0x1;
	s31 =	ssub.s32 s10, s11;
	[sflag:s4] =	ssyncset.done $0x0  }
0xa: {  	s8 =	sadd.s32 s9, s8;
	s9 =	smax.u32 s31, $0x1;
	[sflag:s4] =	ssyncadd.s32 $0xFFFFFE00  }
0xb: {  	[tilespmem:s6], [sflag:$0x1] =	stream.indirect.gather [hbm4b:s2+s6], $0x10, s3, s6, $0xb8;
	[tilespmem:$0x2200] =	vst v63  }
0xc: {  	p0 =	sne.s32 s9, $0x1;
	_ =	swait.ge [sflag:s7], $0x2000  }
.Ltmp0:
0xd: {  	[sflag:s7] =	ssyncset.done $0x0;
	(pc) =	sbr.rel @!p0 .LBB2_2-.Ltmp0, $4  }
0xe: {  	s8 =	sadd.s32 $0x800, s8;
	[sflag:s7] =	ssyncadd.s32 $0xFFFFE000  }
0xf: {  	[hbm4b:s8+s3] =	stream.linear.scatter [tilespmem:s6], [sflag:$0x2], $0x2000, $0x38;
	[tilespmem:$0x2200] =	vst v63  }
0x10: {  	_ =	swait.ge [sflag:s4], $0x2000  }
0x11: {  	s9 =	sadd.s32 $0xFFFFFFFF, s9;
	[sflag:s4] =	ssyncset.done $0x0  }
.LBB2_1:
0x12: {  	p0 =	sne.s32 s9, $0x1;
	s9 =	sadd.s32 $0xFFFFFFFF, s9;
	[sflag:s4] =	ssyncadd.s32 $0xFFFFE000  }
0x13: {  	[tilespmem:s3], [sflag:$0x2] =	stream.linear.gather [hbm4b:s5+s3], $0x200, $0x38;
	[tilespmem:$0x2200] =	vst v63  }
0x14: {  	_ =	swait.ge [sflag:s4], $0x200  }
0x15: {  	[sflag:s4] =	ssyncset.done $0x0  }
0x16: {  	[sflag:s4] =	ssyncadd.s32 $0xFFFFFE00  }
0x17: {  	[tilespmem:s6], [sflag:$0x1] =	stream.indirect.gather [hbm4b:s2+s6], $0x10, s3, s6, $0xb8;
	[tilespmem:$0x2200] =	vst v63  }
0x18: {  	_ =	swait.ge [sflag:s7], $0x2000  }
.Ltmp1:
0x19: {  	[sflag:s7] =	ssyncset.done $0x0;
	(pc) =	sbr.rel @p0 .LBB2_1-.Ltmp1, $4  }
0x1a: {  	[sflag:s7] =	ssyncadd.s32 $0xFFFFE000  }
0x1b: {  	[hbm4b:s8+s3] =	stream.linear.scatter [tilespmem:s6], [sflag:$0x2], $0x2000, $0x38;
	[tilespmem:$0x2200] =	vst v63  }
0x1c: {  	_ =	swait.ge [sflag:s4], $0x2000  }
0x1d: {  	[sflag:s4] =	ssyncset.done $0x0  }
.LBB2_2:
0x1e: {  	[sflag:s4] =	ssyncadd.s32 $0xFFFFE000  }
0x1f: {  	_ =	sfence.sel $0x180000  }
0x20: {  	[bflag:$0x0] =	sbarrier.arrive $0xFFFF  }
0x21: {  	p0 =	sne.s32 s0, $0x0;
	_ =	strace $0x90000047  }
0x22: {  	s0 =	sadd.s32 @!p0 $0x100000, s1;
	[bflag:$0x2] =	sbarrier.arrive $0xFFFF  }
0x23: {  	[sflag:s0] =	ssyncadd.tile.s32 @!p0 $0x1;
	_ =	shalt  }
.Lfunc_end2:
_tile_overlayer_lowered:
.L_overlay_start_2:
0x24: {  	(tag) =	ssettag $0x2  }
0x25: {  	s0 =	rddreg [dreg:$0x0];
	s2 =	stileid.u32  }
0x26: {  	s1 =	rddreg [dreg:$0x1];
	p0 =	sne.s32 s2, $0x0  }
0x27: {  	s3 =	rddreg [dreg:$0x2];
	[bflag:$0x3] =	sbarrier.arrive $0xFFFF;
	s2 =	simm.s32 @!p0 $0x1C02  }
0x28: {  	[timem:s3], [sflag:s2] =	dma.local @!p0 [hbm:s0], s1  }
0x29: {  	s0 =	simm.s32 @!p0 $0x2  }
0x2a: {  	_ =	swait.ge @!p0 [sflag:s0], s1  }
0x2b: {  	s1 =	ssub.s32 @!p0 $0x0, s1;
	[sflag:s0] =	ssyncset.done @!p0 $0x0  }
0x2c: {  	[sflag:s0] =	ssyncadd.s32 @!p0 s1  }
0x2d: {  	[bflag:$0x3] =	sbarrier.arrive $0xFFFF  }
0x2e: {  	_ =	shalt  }

</sc_bundles>
